<compile_context>
chip_gen: v7x
topology: tpu7x:2x2x1
jax: 0.10.2.dev20260603
libtpu: 0.0.44.dev20260713+nightly
codegen_flags: <defaults>
</compile_context>

<pallas_src>
import functools

import jax
import jax.numpy as jnp
from jax import lax
from jax.experimental import pallas as pl
from jax.experimental.pallas import tpu as pltpu
from jax.experimental.pallas import tpu_sc as plsc

_N = 10000
_E = 320000
_D = 128
_L = 5
_BN_EPS = 1e-5
_NC = 2
_NS = 16
_DH = _D // _NC
_EB = 128
_NBUF = 4
_LEAD = 3
_NG = 3
_BLK_PER_TILE = 160
_NBLK = _BLK_PER_TILE * _NS
_EPAD = _NBLK * _EB
_NP = 10240
_NPG = _NG * _NP
_ROWS_PER_TILE = _NPG // _NS


def _sc_aggregate(xcb, srcb, dstb, zeros):
    mesh = plsc.VectorSubcoreMesh(core_axis_name="c", subcore_axis_name="s")

    @functools.partial(
        pl.kernel,
        out_type=jax.ShapeDtypeStruct((_NC, _NPG, _DH), jnp.bfloat16),
        mesh=mesh,
        scratch_types=[
            pltpu.VMEM((_BLK_PER_TILE, _EB), jnp.int32),
            pltpu.VMEM((_BLK_PER_TILE, _EB), jnp.int32),
            pltpu.VMEM((_NBUF * _EB, _DH), jnp.bfloat16),
            pltpu.VMEM_SHARED((_NPG, _DH), jnp.bfloat16),
            pltpu.SemaphoreType.DMA((_NBUF,)),
        ],
        compiler_params=pltpu.CompilerParams(use_tc_tiling_on_sc=False),
    )
    def body(xcb_hbm, srcb_hbm, dstb_hbm, zeros_hbm, out_hbm,
             srcb_v, dstb_v, rows, accum, gsem):
        c = lax.axis_index("c")
        s = lax.axis_index("s")
        r0 = s * _ROWS_PER_TILE
        pltpu.sync_copy(zeros_hbm.at[pl.ds(r0, _ROWS_PER_TILE)],
                        accum.at[pl.ds(r0, _ROWS_PER_TILE)])
        b0 = s * _BLK_PER_TILE
        pltpu.sync_copy(srcb_hbm.at[pl.ds(b0, _BLK_PER_TILE)], srcb_v)
        pltpu.sync_copy(dstb_hbm.at[pl.ds(b0, _BLK_PER_TILE)], dstb_v)
        plsc.subcore_barrier()

        xh = xcb_hbm.at[c]

        def g_start(j):
            bb = lax.rem(j, _NBUF)
            pltpu.async_copy(xh.at[srcb_v.at[j]],
                             rows.at[pl.ds(bb * _EB, _EB)], gsem.at[bb])

        def step(t, carry):
            @pl.when(t < _BLK_PER_TILE)
            def _():
                g_start(t)

            @pl.when(t >= _LEAD)
            def _():
                j = t - _LEAD
                bb = lax.rem(j, _NBUF)
                slot = rows.at[pl.ds(bb * _EB, _EB)]
                pltpu.make_async_copy(xh.at[srcb_v.at[j]], slot,
                                      gsem.at[bb]).wait()
                pltpu.sync_copy(slot, accum.at[dstb_v.at[j]], add=True)

            return carry

        lax.fori_loop(0, _BLK_PER_TILE + _LEAD, step, 0)
        plsc.subcore_barrier()
        pltpu.sync_copy(accum.at[pl.ds(r0, _ROWS_PER_TILE)],
                        out_hbm.at[c, pl.ds(r0, _ROWS_PER_TILE)])

    return body(xcb, srcb, dstb, zeros)


def _tc_mlp(x, parts, a1, c1, a2, c2):
    nb = 10
    bn = _N // nb

    def body(x_ref, p_ref, a1_ref, c1_ref, a2_ref, c2_ref, out_ref):
        halves = []
        for ci in range(_NC):
            acc = p_ref[ci, 0].astype(jnp.float32)
            for g in range(1, _NG):
                acc = acc + p_ref[ci, g].astype(jnp.float32)
            halves.append(acc)
        h0 = x_ref[...] + jnp.concatenate(halves, axis=1)
        for l in range(_L):
            t = jnp.dot(h0, a1_ref[l], preferred_element_type=jnp.float32)
            t = jnp.maximum(t + c1_ref[l], 0.0)
            h = jnp.dot(t, a2_ref[l], preferred_element_type=jnp.float32)
            h = h + c2_ref[l]
            if l < _L - 1:
                h = jnp.maximum(h, 0.0)
            out_ref[l] = h

    return pl.pallas_call(
        body,
        grid=(nb,),
        in_specs=[
            pl.BlockSpec((bn, _D), lambda i: (i, 0)),
            pl.BlockSpec((_NC, _NG, bn, _DH), lambda i: (0, 0, i, 0)),
            pl.BlockSpec((_L, _D, _D), lambda i: (0, 0, 0)),
            pl.BlockSpec((_L, _D), lambda i: (0, 0)),
            pl.BlockSpec((_L, _D, _D), lambda i: (0, 0, 0)),
            pl.BlockSpec((_L, _D), lambda i: (0, 0)),
        ],
        out_specs=pl.BlockSpec((_L, bn, _D), lambda i: (0, i, 0)),
        out_shape=jax.ShapeDtypeStruct((_L, _N, _D), jnp.float32),
    )(x, parts, a1, c1, a2, c2)


def kernel(x, adj, W1, b1, g1, be1, W2, b2, g3, be3):
    npad = _EPAD - _E
    srcb = jnp.concatenate(
        [adj[0], jnp.zeros((npad,), jnp.int32)]).reshape(_NBLK, _EB)
    dstb = jnp.concatenate(
        [adj[1], jnp.full((npad,), _N, jnp.int32)]).reshape(_NBLK, _EB)
    goff = (jnp.arange(_NBLK, dtype=jnp.int32) % _NG) * _NP
    dstb = dstb + goff[:, None]
    xcb = jnp.stack([x[:, :_DH], x[:, _DH:]]).astype(jnp.bfloat16)
    zeros = jnp.zeros((_NPG, _DH), jnp.bfloat16)
    parts = _sc_aggregate(xcb, srcb, dstb, zeros)
    parts = parts.reshape(_NC, _NG, _NP, _DH)
    s1 = g1 / jnp.sqrt(1.0 + _BN_EPS)
    s3 = g3 / jnp.sqrt(1.0 + _BN_EPS)
    a1 = jnp.transpose(W1, (0, 2, 1)) * s1[:, None, :]
    c1 = b1 * s1 + be1
    a2 = jnp.transpose(W2, (0, 2, 1)) * s3[:, None, :]
    c2 = b2 * s3 + be3
    return _tc_mlp(x, parts, a1, c1, a2, c2)

# --- scband reference (transcript-rebuilt; emitter-appended) ---
"""Pipeline reference for scband-gin-8641474200054 (READ-ONLY COPY).

The authoritative reference and input builder live on the scoring server;
editing this copy changes nothing except your own understanding.
"""

import jax, jax.numpy as jnp
import numpy as np

N = 10000
E = 320000
D = 128
L = 5
BN_EPS = 1e-5


def setup_inputs(seed: int = 0):
    key = jax.random.key(seed)
    ks = jax.random.split(key, 10)
    x = jax.random.normal(ks[0], (N, D), dtype=jnp.float32)
    adj = jax.random.randint(ks[1], (2, E), 0, N, dtype=jnp.int32)
    s = 1.0 / np.sqrt(D)
    W1 = jax.random.normal(ks[2], (L, D, D), dtype=jnp.float32) * s
    b1 = jnp.zeros((L, D), dtype=jnp.float32)
    g1 = jnp.ones((L, D), dtype=jnp.float32)
    be1 = jnp.zeros((L, D), dtype=jnp.float32)
    W2 = jax.random.normal(ks[3], (L, D, D), dtype=jnp.float32) * s
    b2 = jnp.zeros((L, D), dtype=jnp.float32)
    g3 = jnp.ones((L, D), dtype=jnp.float32)
    be3 = jnp.zeros((L, D), dtype=jnp.float32)
    return {"x": x, "adj": adj, "W1": W1, "b1": b1, "g1": g1, "be1": be1,
            "W2": W2, "b2": b2, "g3": g3, "be3": be3}


def _bn_eval(h, gamma, beta):
    # BatchNorm1d in eval mode with freshly-initialized running stats
    # (running_mean=0, running_var=1), so normalization is h / sqrt(1+eps).
    return h * (gamma / jnp.sqrt(1.0 + BN_EPS)) + beta


def reference(x, adj, W1, b1, g1, be1, W2, b2, g3, be3):
    src = adj[0]
    dst = adj[1]
    hs = []
    for l in range(L):
        # NOTE: faithful to the original forward, which applies every conv to
        # the ORIGINAL x (h = self.convs[layer](x, adj)), not the previous h.
        # GINConv: nn((1 + eps) * x + sum_{j in N(i)} x_j), eps = 0.
        aggr = jax.ops.segment_sum(x[src], dst, num_segments=N)
        h = x + aggr
        # MLP: Linear -> BatchNorm1d -> ReLU -> Linear
        h = h @ W1[l].T + b1[l]
        h = _bn_eval(h, g1[l], be1[l])
        h = jax.nn.relu(h)
        h = h @ W2[l].T + b2[l]
        # outer BatchNorm1d
        h = _bn_eval(h, g3[l], be3[l])
        if l < L - 1:
            h = jax.nn.relu(h)
        # dropout is identity in eval mode
        hs.append(h)
    # h_list = [x, h1..h5]; stack(h_list[-5:]) == stack([h1..h5])
    return jnp.stack(hs)

if __name__ == "__main__":
    import jax
    _d = setup_inputs()
    print(jax.jit(kernel)(*tuple(_d.values())))

</pallas_src>

<mosaic_0001>
#map = affine_map<(d0, d1) -> (0, 0, 0)>
#map1 = affine_map<(d0, d1) -> (0, 0)>
module attributes {stable_mosaic.version = 14 : i64} {
  func.func @body(%arg0: i32, %arg1: i32, %arg2: memref<2x10000x64xbf16, #tpu.memory_space<hbm>>, %arg3: memref<2560x128xi32, #tpu.memory_space<hbm>>, %arg4: memref<2560x128xi32, #tpu.memory_space<hbm>>, %arg5: memref<30720x64xbf16, #tpu.memory_space<hbm>>, %arg6: memref<2x30720x64xbf16, #tpu.memory_space<hbm>>, %arg7: memref<160x128xi32, #tpu.memory_space<vmem>>, %arg8: memref<160x128xi32, #tpu.memory_space<vmem>>, %arg9: memref<512x64xbf16, #tpu.memory_space<vmem>>, %arg10: memref<30720x64xbf16, #tpu.memory_space<vmem_shared>>, %arg11: memref<4x!tpu.dma_semaphore, #tpu.memory_space<semaphore_mem>>) attributes {dimension_semantics = [#tpu.dimension_semantics<core_parallel>, #tpu.dimension_semantics<subcore_parallel>], iteration_bounds = array<i64: 2, 16>, scalar_prefetch = 0 : i64, scratch_operands = 5 : i64, tpu.core_type = #tpu.core_type<sc_vector_subcore>, window_params = [{transform_indices = #map}, {transform_indices = #map1}, {transform_indices = #map1}, {transform_indices = #map1}, {transform_indices = #map}]} {
    %mul3A = arith.constant 1920 : i32
    %mul3A_0 = arith.muli %arg1, %mul3A : i32
    "tpu.region"() ({
      %run_scoped3A = tpu.sem_alloc : memref<!tpu.dma_semaphore, #tpu.memory_space<semaphore_mem>>
      %dma_start3A = arith.constant 0 : i32
      %dma_start3A_9 = tpu.memref_slice %arg10[%mul3A_0, %dma_start3A] : memref<30720x64xbf16, #tpu.memory_space<vmem_shared>> -> memref<1920x64xbf16, #tpu.memory_space<vmem_shared>>
      %dma_start3A_10 = arith.constant 0 : i32
      %dma_start3A_11 = tpu.memref_slice %arg5[%mul3A_0, %dma_start3A_10] : memref<30720x64xbf16, #tpu.memory_space<hbm>> -> memref<1920x64xbf16, #tpu.memory_space<hbm>>
      tpu.enqueue_dma source(%dma_start3A_11 : memref<1920x64xbf16, #tpu.memory_space<hbm>>) target(%dma_start3A_9 : memref<1920x64xbf16, #tpu.memory_space<vmem_shared>>) target_semaphore(%run_scoped3A : memref<!tpu.dma_semaphore, #tpu.memory_space<semaphore_mem>>)
      %dma_wait3A = arith.constant 0 : i32
      %dma_wait3A_12 = tpu.memref_slice %arg10[%mul3A_0, %dma_wait3A] : memref<30720x64xbf16, #tpu.memory_space<vmem_shared>> -> memref<1920x64xbf16, #tpu.memory_space<vmem_shared>>
      %dma_wait3A_13 = arith.constant 0 : i32
      %dma_wait3A_14 = tpu.memref_slice %arg5[%mul3A_0, %dma_wait3A_13] : memref<30720x64xbf16, #tpu.memory_space<hbm>> -> memref<1920x64xbf16, #tpu.memory_space<hbm>>
      tpu.wait_dma2 semaphore(%run_scoped3A : memref<!tpu.dma_semaphore, #tpu.memory_space<semaphore_mem>>) src(%dma_wait3A_14 : memref<1920x64xbf16, #tpu.memory_space<hbm>>) dst(%dma_wait3A_12 : memref<1920x64xbf16, #tpu.memory_space<vmem_shared>>)
      tpu.yield
    }) : () -> ()
    %mul3A_1 = arith.constant 160 : i32
    %mul3A_2 = arith.muli %arg1, %mul3A_1 : i32
    "tpu.region"() ({
      %run_scoped3A = tpu.sem_alloc : memref<!tpu.dma_semaphore, #tpu.memory_space<semaphore_mem>>
      %dma_start3A = arith.constant 0 : i32
      %dma_start3A_9 = tpu.memref_slice %arg3[%mul3A_2, %dma_start3A] : memref<2560x128xi32, #tpu.memory_space<hbm>> -> memref<160x128xi32, #tpu.memory_space<hbm>>
      %dma_start3A_10 = arith.constant 0 : i32
      %dma_start3A_11 = tpu.memref_slice %arg3[%mul3A_2, %dma_start3A_10] : memref<2560x128xi32, #tpu.memory_space<hbm>> -> memref<160x128xi32, #tpu.memory_space<hbm>>
      tpu.enqueue_dma source(%dma_start3A_11 : memref<160x128xi32, #tpu.memory_space<hbm>>) target(%arg7 : memref<160x128xi32, #tpu.memory_space<vmem>>) target_semaphore(%run_scoped3A : memref<!tpu.dma_semaphore, #tpu.memory_space<semaphore_mem>>)
      %dma_wait3A = arith.constant 0 : i32
      %dma_wait3A_12 = tpu.memref_slice %arg3[%mul3A_2, %dma_wait3A] : memref<2560x128xi32, #tpu.memory_space<hbm>> -> memref<160x128xi32, #tpu.memory_space<hbm>>
      %dma_wait3A_13 = arith.constant 0 : i32
      %dma_wait3A_14 = tpu.memref_slice %arg3[%mul3A_2, %dma_wait3A_13] : memref<2560x128xi32, #tpu.memory_space<hbm>> -> memref<160x128xi32, #tpu.memory_space<hbm>>
      tpu.wait_dma2 semaphore(%run_scoped3A : memref<!tpu.dma_semaphore, #tpu.memory_space<semaphore_mem>>) src(%dma_wait3A_14 : memref<160x128xi32, #tpu.memory_space<hbm>>) dst(%arg7 : memref<160x128xi32, #tpu.memory_space<vmem>>)
      tpu.yield
    }) : () -> ()
    "tpu.region"() ({
      %run_scoped3A = tpu.sem_alloc : memref<!tpu.dma_semaphore, #tpu.memory_space<semaphore_mem>>
      %dma_start3A = arith.constant 0 : i32
      %dma_start3A_9 = tpu.memref_slice %arg4[%mul3A_2, %dma_start3A] : memref<2560x128xi32, #tpu.memory_space<hbm>> -> memref<160x128xi32, #tpu.memory_space<hbm>>
      %dma_start3A_10 = arith.constant 0 : i32
      %dma_start3A_11 = tpu.memref_slice %arg4[%mul3A_2, %dma_start3A_10] : memref<2560x128xi32, #tpu.memory_space<hbm>> -> memref<160x128xi32, #tpu.memory_space<hbm>>
      tpu.enqueue_dma source(%dma_start3A_11 : memref<160x128xi32, #tpu.memory_space<hbm>>) target(%arg8 : memref<160x128xi32, #tpu.memory_space<vmem>>) target_semaphore(%run_scoped3A : memref<!tpu.dma_semaphore, #tpu.memory_space<semaphore_mem>>)
      %dma_wait3A = arith.constant 0 : i32
      %dma_wait3A_12 = tpu.memref_slice %arg4[%mul3A_2, %dma_wait3A] : memref<2560x128xi32, #tpu.memory_space<hbm>> -> memref<160x128xi32, #tpu.memory_space<hbm>>
      %dma_wait3A_13 = arith.constant 0 : i32
      %dma_wait3A_14 = tpu.memref_slice %arg4[%mul3A_2, %dma_wait3A_13] : memref<2560x128xi32, #tpu.memory_space<hbm>> -> memref<160x128xi32, #tpu.memory_space<hbm>>
      tpu.wait_dma2 semaphore(%run_scoped3A : memref<!tpu.dma_semaphore, #tpu.memory_space<semaphore_mem>>) src(%dma_wait3A_14 : memref<160x128xi32, #tpu.memory_space<hbm>>) dst(%arg8 : memref<160x128xi32, #tpu.memory_space<vmem>>)
      tpu.yield
    }) : () -> ()
    %barrier3A = arith.constant 0 : index
    tpu.barrier barrier_id(%barrier3A)
    %scan3A = arith.constant 0 : i32
    %scan3A_3 = arith.constant 0 : i32
    %scan3A_4 = arith.constant 163 : i32
    %scan3A_5 = arith.addi %scan3A_3, %scan3A_4 : i32
    %scan3A_6 = arith.constant 1 : i32
    scf.for %scan3A_9 = %scan3A_3 to %scan3A_5 step %scan3A_6  : i32 {
      %lt3A = arith.constant 160 : i32
      %lt3A_10 = arith.cmpi slt, %scan3A_9, %lt3A : i32
      %convert_element_type3A = arith.extui %lt3A_10 : i1 to i32
      %cond3A = arith.constant 0 : i32
      %cond3A_11 = arith.cmpi ne, %convert_element_type3A, %cond3A : i32
      scf.if %cond3A_11 {
        %rem3A = arith.constant 4 : i32
        %rem3A_16 = arith.remsi %scan3A_9, %rem3A : i32
        %mul3A_17 = arith.constant 128 : i32
        %mul3A_18 = arith.muli %rem3A_16, %mul3A_17 : i32
        %dma_start3A = arith.constant 0 : i32
        %dma_start3A_19 = tpu.memref_slice %arg9[%mul3A_18, %dma_start3A] : memref<512x64xbf16, #tpu.memory_space<vmem>> -> memref<128x64xbf16, #tpu.memory_space<vmem>>
        %dma_start3A_20 = arith.constant 0 : i32
        %dma_start3A_21 = tpu.memref_slice %arg7[%scan3A_9, %dma_start3A_20] : memref<160x128xi32, #tpu.memory_space<vmem>> -> memref<1x128xi32, #tpu.memory_space<vmem>>
        %dma_start3A_22 = tpu.memref_squeeze %dma_start3A_21 : memref<1x128xi32, #tpu.memory_space<vmem>> -> memref<128xi32, #tpu.memory_space<vmem>>
        %dma_start3A_23 = arith.constant 0 : i32
        %dma_start3A_24 = arith.constant 0 : i32
        %dma_start3A_25 = tpu.memref_slice %arg2[%arg0, %dma_start3A_23, %dma_start3A_24] : memref<2x10000x64xbf16, #tpu.memory_space<hbm>> -> memref<1x10000x64xbf16, #tpu.memory_space<hbm>>
        %dma_start3A_26 = tpu.memref_squeeze %dma_start3A_25 : memref<1x10000x64xbf16, #tpu.memory_space<hbm>> -> memref<10000x64xbf16, #tpu.memory_space<hbm>>
        %dma_start3A_27 = arith.constant 0 : i32
        %dma_start3A_28 = arith.constant 0 : i32
        %dma_start3A_29 = tpu.memref_slice %dma_start3A_26[%dma_start3A_27, %dma_start3A_28] : memref<10000x64xbf16, #tpu.memory_space<hbm>> -> memref<10000x64xbf16, #tpu.memory_space<hbm>>
        %dma_start3A_30 = tpu.memref_slice %arg11[%rem3A_16] : memref<4x!tpu.dma_semaphore, #tpu.memory_space<semaphore_mem>> -> memref<1x!tpu.dma_semaphore, #tpu.memory_space<semaphore_mem>>
        %dma_start3A_31 = tpu.memref_squeeze %dma_start3A_30 : memref<1x!tpu.dma_semaphore, #tpu.memory_space<semaphore_mem>> -> memref<!tpu.dma_semaphore, #tpu.memory_space<semaphore_mem>>
        tpu.enqueue_indirect_dma source(%dma_start3A_29 : memref<10000x64xbf16, #tpu.memory_space<hbm>>) target(%dma_start3A_19 : memref<128x64xbf16, #tpu.memory_space<vmem>>) offsets(%dma_start3A_22 : memref<128xi32, #tpu.memory_space<vmem>>) semaphore(%dma_start3A_31 : memref<!tpu.dma_semaphore, #tpu.memory_space<semaphore_mem>>)
      } else {
      }
      %ge3A = arith.constant 3 : i32
      %ge3A_12 = arith.cmpi sge, %scan3A_9, %ge3A : i32
      %convert_element_type3A_13 = arith.extui %ge3A_12 : i1 to i32
      %cond3A_14 = arith.constant 0 : i32
      %cond3A_15 = arith.cmpi ne, %convert_element_type3A_13, %cond3A_14 : i32
      scf.if %cond3A_15 {
        %sub3A = arith.constant 3 : i32
        %sub3A_16 = arith.subi %scan3A_9, %sub3A : i32
        %rem3A = arith.constant 4 : i32
        %rem3A_17 = arith.remsi %sub3A_16, %rem3A : i32
        %mul3A_18 = arith.constant 128 : i32
        %mul3A_19 = arith.muli %rem3A_17, %mul3A_18 : i32
        %dma_wait3A = arith.constant 0 : i32
        %dma_wait3A_20 = tpu.memref_slice %arg9[%mul3A_19, %dma_wait3A] : memref<512x64xbf16, #tpu.memory_space<vmem>> -> memref<128x64xbf16, #tpu.memory_space<vmem>>
        %dma_wait3A_21 = arith.constant 0 : i32
        %dma_wait3A_22 = tpu.memref_slice %arg7[%sub3A_16, %dma_wait3A_21] : memref<160x128xi32, #tpu.memory_space<vmem>> -> memref<1x128xi32, #tpu.memory_space<vmem>>
        %dma_wait3A_23 = tpu.memref_squeeze %dma_wait3A_22 : memref<1x128xi32, #tpu.memory_space<vmem>> -> memref<128xi32, #tpu.memory_space<vmem>>
        %dma_wait3A_24 = arith.constant 0 : i32
        %dma_wait3A_25 = arith.constant 0 : i32
        %dma_wait3A_26 = tpu.memref_slice %arg2[%arg0, %dma_wait3A_24, %dma_wait3A_25] : memref<2x10000x64xbf16, #tpu.memory_space<hbm>> -> memref<1x10000x64xbf16, #tpu.memory_space<hbm>>
        %dma_wait3A_27 = tpu.memref_squeeze %dma_wait3A_26 : memref<1x10000x64xbf16, #tpu.memory_space<hbm>> -> memref<10000x64xbf16, #tpu.memory_space<hbm>>
        %dma_wait3A_28 = arith.constant 0 : i32
        %dma_wait3A_29 = arith.constant 0 : i32
        %dma_wait3A_30 = tpu.memref_slice %dma_wait3A_27[%dma_wait3A_28, %dma_wait3A_29] : memref<10000x64xbf16, #tpu.memory_space<hbm>> -> memref<10000x64xbf16, #tpu.memory_space<hbm>>
        %dma_wait3A_31 = tpu.memref_slice %arg11[%rem3A_17] : memref<4x!tpu.dma_semaphore, #tpu.memory_space<semaphore_mem>> -> memref<1x!tpu.dma_semaphore, #tpu.memory_space<semaphore_mem>>
        %dma_wait3A_32 = tpu.memref_squeeze %dma_wait3A_31 : memref<1x!tpu.dma_semaphore, #tpu.memory_space<semaphore_mem>> -> memref<!tpu.dma_semaphore, #tpu.memory_space<semaphore_mem>>
        tpu.wait_indirect_dma semaphore(%dma_wait3A_32 : memref<!tpu.dma_semaphore, #tpu.memory_space<semaphore_mem>>) src(%dma_wait3A_30 : memref<10000x64xbf16, #tpu.memory_space<hbm>>) dst(%dma_wait3A_20 : memref<128x64xbf16, #tpu.memory_space<vmem>>)
        "tpu.region"() ({
          %run_scoped3A = tpu.sem_alloc : memref<!tpu.dma_semaphore, #tpu.memory_space<semaphore_mem>>
          %dma_start3A = arith.constant 0 : i32
          %dma_start3A_33 = tpu.memref_slice %arg9[%mul3A_19, %dma_start3A] : memref<512x64xbf16, #tpu.memory_space<vmem>> -> memref<128x64xbf16, #tpu.memory_space<vmem>>
          %dma_start3A_34 = arith.constant 0 : i32
          %dma_start3A_35 = tpu.memref_slice %arg8[%sub3A_16, %dma_start3A_34] : memref<160x128xi32, #tpu.memory_space<vmem>> -> memref<1x128xi32, #tpu.memory_space<vmem>>
          %dma_start3A_36 = tpu.memref_squeeze %dma_start3A_35 : memref<1x128xi32, #tpu.memory_space<vmem>> -> memref<128xi32, #tpu.memory_space<vmem>>
          %dma_start3A_37 = arith.constant 0 : i32
          %dma_start3A_38 = arith.constant 0 : i32
          %dma_start3A_39 = tpu.memref_slice %arg10[%dma_start3A_37, %dma_start3A_38] : memref<30720x64xbf16, #tpu.memory_space<vmem_shared>> -> memref<30720x64xbf16, #tpu.memory_space<vmem_shared>>
          tpu.enqueue_indirect_dma source(%dma_start3A_33 : memref<128x64xbf16, #tpu.memory_space<vmem>>) target(%dma_start3A_39 : memref<30720x64xbf16, #tpu.memory_space<vmem_shared>>) offsets(%dma_start3A_36 : memref<128xi32, #tpu.memory_space<vmem>>) semaphore(%run_scoped3A : memref<!tpu.dma_semaphore, #tpu.memory_space<semaphore_mem>>) {add = true}
          %dma_wait3A_40 = arith.constant 0 : i32
          %dma_wait3A_41 = tpu.memref_slice %arg9[%mul3A_19, %dma_wait3A_40] : memref<512x64xbf16, #tpu.memory_space<vmem>> -> memref<128x64xbf16, #tpu.memory_space<vmem>>
          %dma_wait3A_42 = arith.constant 0 : i32
          %dma_wait3A_43 = tpu.memref_slice %arg8[%sub3A_16, %dma_wait3A_42] : memref<160x128xi32, #tpu.memory_space<vmem>> -> memref<1x128xi32, #tpu.memory_space<vmem>>
          %dma_wait3A_44 = tpu.memref_squeeze %dma_wait3A_43 : memref<1x128xi32, #tpu.memory_space<vmem>> -> memref<128xi32, #tpu.memory_space<vmem>>
          %dma_wait3A_45 = arith.constant 0 : i32
          %dma_wait3A_46 = arith.constant 0 : i32
          %dma_wait3A_47 = tpu.memref_slice %arg10[%dma_wait3A_45, %dma_wait3A_46] : memref<30720x64xbf16, #tpu.memory_space<vmem_shared>> -> memref<30720x64xbf16, #tpu.memory_space<vmem_shared>>
          tpu.wait_indirect_dma semaphore(%run_scoped3A : memref<!tpu.dma_semaphore, #tpu.memory_space<semaphore_mem>>) src(%dma_wait3A_41 : memref<128x64xbf16, #tpu.memory_space<vmem>>) dst(%dma_wait3A_47 : memref<30720x64xbf16, #tpu.memory_space<vmem_shared>>)
          tpu.yield
        }) : () -> ()
      } else {
      }
    }
    %scan3A_7 = arith.constant 163 : i32
    %barrier3A_8 = arith.constant 0 : index
    tpu.barrier barrier_id(%barrier3A_8)
    "tpu.region"() ({
      %run_scoped3A = tpu.sem_alloc : memref<!tpu.dma_semaphore, #tpu.memory_space<semaphore_mem>>
      %dma_start3A = arith.constant 0 : i32
      %dma_start3A_9 = tpu.memref_slice %arg6[%arg0, %mul3A_0, %dma_start3A] : memref<2x30720x64xbf16, #tpu.memory_space<hbm>> -> memref<1x1920x64xbf16, #tpu.memory_space<hbm>>
      %dma_start3A_10 = tpu.memref_squeeze %dma_start3A_9 : memref<1x1920x64xbf16, #tpu.memory_space<hbm>> -> memref<1920x64xbf16, #tpu.memory_space<hbm>>
      %dma_start3A_11 = arith.constant 0 : i32
      %dma_start3A_12 = tpu.memref_slice %arg10[%mul3A_0, %dma_start3A_11] : memref<30720x64xbf16, #tpu.memory_space<vmem_shared>> -> memref<1920x64xbf16, #tpu.memory_space<vmem_shared>>
      tpu.enqueue_dma source(%dma_start3A_12 : memref<1920x64xbf16, #tpu.memory_space<vmem_shared>>) target(%dma_start3A_10 : memref<1920x64xbf16, #tpu.memory_space<hbm>>) target_semaphore(%run_scoped3A : memref<!tpu.dma_semaphore, #tpu.memory_space<semaphore_mem>>)
      %dma_wait3A = arith.constant 0 : i32
      %dma_wait3A_13 = tpu.memref_slice %arg6[%arg0, %mul3A_0, %dma_wait3A] : memref<2x30720x64xbf16, #tpu.memory_space<hbm>> -> memref<1x1920x64xbf16, #tpu.memory_space<hbm>>
      %dma_wait3A_14 = tpu.memref_squeeze %dma_wait3A_13 : memref<1x1920x64xbf16, #tpu.memory_space<hbm>> -> memref<1920x64xbf16, #tpu.memory_space<hbm>>
      %dma_wait3A_15 = arith.constant 0 : i32
      %dma_wait3A_16 = tpu.memref_slice %arg10[%mul3A_0, %dma_wait3A_15] : memref<30720x64xbf16, #tpu.memory_space<vmem_shared>> -> memref<1920x64xbf16, #tpu.memory_space<vmem_shared>>
      tpu.wait_dma2 semaphore(%run_scoped3A : memref<!tpu.dma_semaphore, #tpu.memory_space<semaphore_mem>>) src(%dma_wait3A_16 : memref<1920x64xbf16, #tpu.memory_space<vmem_shared>>) dst(%dma_wait3A_14 : memref<1920x64xbf16, #tpu.memory_space<hbm>>)
      tpu.yield
    }) : () -> ()
    return
  }
}

module attributes {stable_mosaic.version = 14 : i64} {
  func.func @body(%arg0: i32, %arg1: memref<1000x128xf32, #tpu.memory_space<vmem>>, %arg2: memref<2x3x1000x64xbf16, #tpu.memory_space<vmem>>, %arg3: memref<5x128x128xf32, #tpu.memory_space<vmem>>, %arg4: memref<5x128xf32, #tpu.memory_space<vmem>>, %arg5: memref<5x128x128xf32, #tpu.memory_space<vmem>>, %arg6: memref<5x128xf32, #tpu.memory_space<vmem>>, %arg7: memref<5x1000x128xf32, #tpu.memory_space<vmem>>) attributes {dimension_semantics = [#tpu.dimension_semantics<arbitrary>], iteration_bounds = array<i64: 10>, scalar_prefetch = 0 : i64, scratch_operands = 0 : i64, tpu.core_type = #tpu.core_type<tc>, window_params = [{transform_indices = @transform_0, window_bounds = array<i64: 1000, 128>}, {transform_indices = @transform_1, window_bounds = array<i64: 2, 3, 1000, 64>}, {pipeline_mode = #tpu.pipeline_mode<synchronous>, transform_indices = @transform_2, window_bounds = array<i64: 5, 128, 128>}, {pipeline_mode = #tpu.pipeline_mode<synchronous>, transform_indices = @transform_3, window_bounds = array<i64: 5, 128>}, {pipeline_mode = #tpu.pipeline_mode<synchronous>, transform_indices = @transform_4, window_bounds = array<i64: 5, 128, 128>}, {pipeline_mode = #tpu.pipeline_mode<synchronous>, transform_indices = @transform_5, window_bounds = array<i64: 5, 128>}, {transform_indices = @transform_6, window_bounds = array<i64: 5, 1000, 128>}]} {
    %get3A = arith.constant 0 : index
    %get3A_0 = arith.constant 0 : index
    %get3A_1 = arith.constant 0 : index
    %get3A_2 = arith.constant 0 : index
    %get3A_3 = vector.load %arg2[%get3A, %get3A_0, %get3A_1, %get3A_2] : memref<2x3x1000x64xbf16, #tpu.memory_space<vmem>>, vector<1x1x1000x64xbf16>
    %get3A_4 = vector.shape_cast %get3A_3 : vector<1x1x1000x64xbf16> to vector<1000x64xbf16>
    %convert_element_type3A = arith.extf %get3A_4 : vector<1000x64xbf16> to vector<1000x64xf32>
    %get3A_5 = arith.constant 0 : index
    %get3A_6 = arith.constant 1 : index
    %get3A_7 = arith.constant 0 : index
    %get3A_8 = arith.constant 0 : index
    %get3A_9 = vector.load %arg2[%get3A_5, %get3A_6, %get3A_7, %get3A_8] : memref<2x3x1000x64xbf16, #tpu.memory_space<vmem>>, vector<1x1x1000x64xbf16>
    %get3A_10 = vector.shape_cast %get3A_9 : vector<1x1x1000x64xbf16> to vector<1000x64xbf16>
    %convert_element_type3A_11 = arith.extf %get3A_10 : vector<1000x64xbf16> to vector<1000x64xf32>
    %add3A = arith.addf %convert_element_type3A, %convert_element_type3A_11 : vector<1000x64xf32>
    %get3A_12 = arith.constant 0 : index
    %get3A_13 = arith.constant 2 : index
    %get3A_14 = arith.constant 0 : index
    %get3A_15 = arith.constant 0 : index
    %get3A_16 = vector.load %arg2[%get3A_12, %get3A_13, %get3A_14, %get3A_15] : memref<2x3x1000x64xbf16, #tpu.memory_space<vmem>>, vector<1x1x1000x64xbf16>
    %get3A_17 = vector.shape_cast %get3A_16 : vector<1x1x1000x64xbf16> to vector<1000x64xbf16>
    %convert_element_type3A_18 = arith.extf %get3A_17 : vector<1000x64xbf16> to vector<1000x64xf32>
    %add3A_19 = arith.addf %add3A, %convert_element_type3A_18 : vector<1000x64xf32>
    %get3A_20 = arith.constant 1 : index
    %get3A_21 = arith.constant 0 : index
    %get3A_22 = arith.constant 0 : index
    %get3A_23 = arith.constant 0 : index
    %get3A_24 = vector.load %arg2[%get3A_20, %get3A_21, %get3A_22, %get3A_23] : memref<2x3x1000x64xbf16, #tpu.memory_space<vmem>>, vector<1x1x1000x64xbf16>
    %get3A_25 = vector.shape_cast %get3A_24 : vector<1x1x1000x64xbf16> to vector<1000x64xbf16>
    %convert_element_type3A_26 = arith.extf %get3A_25 : vector<1000x64xbf16> to vector<1000x64xf32>
    %get3A_27 = arith.constant 1 : index
    %get3A_28 = arith.constant 1 : index
    %get3A_29 = arith.constant 0 : index
    %get3A_30 = arith.constant 0 : index
    %get3A_31 = vector.load %arg2[%get3A_27, %get3A_28, %get3A_29, %get3A_30] : memref<2x3x1000x64xbf16, #tpu.memory_space<vmem>>, vector<1x1x1000x64xbf16>
    %get3A_32 = vector.shape_cast %get3A_31 : vector<1x1x1000x64xbf16> to vector<1000x64xbf16>
    %convert_element_type3A_33 = arith.extf %get3A_32 : vector<1000x64xbf16> to vector<1000x64xf32>
    %add3A_34 = arith.addf %convert_element_type3A_26, %convert_element_type3A_33 : vector<1000x64xf32>
    %get3A_35 = arith.constant 1 : index
    %get3A_36 = arith.constant 2 : index
    %get3A_37 = arith.constant 0 : index
    %get3A_38 = arith.constant 0 : index
    %get3A_39 = vector.load %arg2[%get3A_35, %get3A_36, %get3A_37, %get3A_38] : memref<2x3x1000x64xbf16, #tpu.memory_space<vmem>>, vector<1x1x1000x64xbf16>
    %get3A_40 = vector.shape_cast %get3A_39 : vector<1x1x1000x64xbf16> to vector<1000x64xbf16>
    %convert_element_type3A_41 = arith.extf %get3A_40 : vector<1000x64xbf16> to vector<1000x64xf32>
    %add3A_42 = arith.addf %add3A_34, %convert_element_type3A_41 : vector<1000x64xf32>
    %get3A_43 = arith.constant 0 : index
    %get3A_44 = arith.constant 0 : index
    %get3A_45 = vector.load %arg1[%get3A_43, %get3A_44] : memref<1000x128xf32, #tpu.memory_space<vmem>>, vector<1000x128xf32>
    %concatenate3A = tpu.concatenate %add3A_19, %add3A_42 in 1 : vector<1000x64xf32>, vector<1000x64xf32> -> vector<1000x128xf32>
    %add3A_46 = arith.addf %get3A_45, %concatenate3A : vector<1000x128xf32>
    %get3A_47 = arith.constant 0 : index
    %get3A_48 = arith.constant 0 : index
    %get3A_49 = arith.constant 0 : index
    %get3A_50 = vector.load %arg3[%get3A_47, %get3A_48, %get3A_49] : memref<5x128x128xf32, #tpu.memory_space<vmem>>, vector<1x128x128xf32>
    %get3A_51 = vector.shape_cast %get3A_50 : vector<1x128x128xf32> to vector<128x128xf32>
    %dot_general3A = arith.constant dense<0.000000e+00> : vector<1000x128xf32>
    %dot_general3A_52 = tpu.matmul %add3A_46, %get3A_51, %dot_general3A {dimension_numbers = #tpu.dot_dimension_numbers<[1], [0], [0], [1], [0, 0, 1, 1], [], []>, transpose_lhs_hint = false} : vector<1000x128xf32>, vector<128x128xf32>, vector<1000x128xf32> -> vector<1000x128xf32>
    %get3A_53 = arith.constant 0 : index
    %get3A_54 = arith.constant 0 : index
    %get3A_55 = vector.load %arg4[%get3A_53, %get3A_54] : memref<5x128xf32, #tpu.memory_space<vmem>>, vector<1x128xf32>
    %get3A_56 = vector.shape_cast %get3A_55 : vector<1x128xf32> to vector<128xf32>
    %broadcast_in_dim3A = vector.shape_cast %get3A_56 : vector<128xf32> to vector<1x128xf32>
    %add3A_57 = vector.broadcast %broadcast_in_dim3A : vector<1x128xf32> to vector<1000x128xf32>
    %add3A_58 = arith.addf %dot_general3A_52, %add3A_57 : vector<1000x128xf32>
    %max3A = arith.constant 0.000000e+00 : f32
    %max3A_59 = vector.broadcast %max3A : f32 to vector<1000x128xf32>
    %max3A_60 = arith.maximumf %add3A_58, %max3A_59 : vector<1000x128xf32>
    %get3A_61 = arith.constant 0 : index
    %get3A_62 = arith.constant 0 : index
    %get3A_63 = arith.constant 0 : index
    %get3A_64 = vector.load %arg5[%get3A_61, %get3A_62, %get3A_63] : memref<5x128x128xf32, #tpu.memory_space<vmem>>, vector<1x128x128xf32>
    %get3A_65 = vector.shape_cast %get3A_64 : vector<1x128x128xf32> to vector<128x128xf32>
    %dot_general3A_66 = arith.constant dense<0.000000e+00> : vector<1000x128xf32>
    %dot_general3A_67 = tpu.matmul %max3A_60, %get3A_65, %dot_general3A_66 {dimension_numbers = #tpu.dot_dimension_numbers<[1], [0], [0], [1], [0, 0, 1, 1], [], []>, transpose_lhs_hint = false} : vector<1000x128xf32>, vector<128x128xf32>, vector<1000x128xf32> -> vector<1000x128xf32>
    %get3A_68 = arith.constant 0 : index
    %get3A_69 = arith.constant 0 : index
    %get3A_70 = vector.load %arg6[%get3A_68, %get3A_69] : memref<5x128xf32, #tpu.memory_space<vmem>>, vector<1x128xf32>
    %get3A_71 = vector.shape_cast %get3A_70 : vector<1x128xf32> to vector<128xf32>
    %broadcast_in_dim3A_72 = vector.shape_cast %get3A_71 : vector<128xf32> to vector<1x128xf32>
    %add3A_73 = vector.broadcast %broadcast_in_dim3A_72 : vector<1x128xf32> to vector<1000x128xf32>
    %add3A_74 = arith.addf %dot_general3A_67, %add3A_73 : vector<1000x128xf32>
    %max3A_75 = arith.constant 0.000000e+00 : f32
    %max3A_76 = vector.broadcast %max3A_75 : f32 to vector<1000x128xf32>
    %max3A_77 = arith.maximumf %add3A_74, %max3A_76 : vector<1000x128xf32>
    %swap3A = arith.constant 0 : index
    %swap3A_78 = arith.constant 0 : index
    %swap3A_79 = arith.constant 0 : index
    %swap3A_80 = vector.load %arg7[%swap3A, %swap3A_78, %swap3A_79] : memref<5x1000x128xf32, #tpu.memory_space<vmem>>, vector<1x1000x128xf32>
    %swap3A_81 = vector.shape_cast %swap3A_80 : vector<1x1000x128xf32> to vector<1000x128xf32>
    %swap3A_82 = vector.shape_cast %max3A_77 : vector<1000x128xf32> to vector<1x1000x128xf32>
    tpu.vector_store %arg7[%swap3A, %swap3A_78, %swap3A_79], %swap3A_82 {strides = array<i32>} : memref<5x1000x128xf32, #tpu.memory_space<vmem>>, vector<1x1000x128xf32>,
    %get3A_83 = arith.constant 1 : index
    %get3A_84 = arith.constant 0 : index
    %get3A_85 = arith.constant 0 : index
    %get3A_86 = vector.load %arg3[%get3A_83, %get3A_84, %get3A_85] : memref<5x128x128xf32, #tpu.memory_space<vmem>>, vector<1x128x128xf32>
    %get3A_87 = vector.shape_cast %get3A_86 : vector<1x128x128xf32> to vector<128x128xf32>
    %dot_general3A_88 = arith.constant dense<0.000000e+00> : vector<1000x128xf32>
    %dot_general3A_89 = tpu.matmul %add3A_46, %get3A_87, %dot_general3A_88 {dimension_numbers = #tpu.dot_dimension_numbers<[1], [0], [0], [1], [0, 0, 1, 1], [], []>, transpose_lhs_hint = false} : vector<1000x128xf32>, vector<128x128xf32>, vector<1000x128xf32> -> vector<1000x128xf32>
    %get3A_90 = arith.constant 1 : index
    %get3A_91 = arith.constant 0 : index
    %get3A_92 = vector.load %arg4[%get3A_90, %get3A_91] : memref<5x128xf32, #tpu.memory_space<vmem>>, vector<1x128xf32>
    %get3A_93 = vector.shape_cast %get3A_92 : vector<1x128xf32> to vector<128xf32>
    %broadcast_in_dim3A_94 = vector.shape_cast %get3A_93 : vector<128xf32> to vector<1x128xf32>
    %add3A_95 = vector.broadcast %broadcast_in_dim3A_94 : vector<1x128xf32> to vector<1000x128xf32>
    %add3A_96 = arith.addf %dot_general3A_89, %add3A_95 : vector<1000x128xf32>
    %max3A_97 = arith.constant 0.000000e+00 : f32
    %max3A_98 = vector.broadcast %max3A_97 : f32 to vector<1000x128xf32>
    %max3A_99 = arith.maximumf %add3A_96, %max3A_98 : vector<1000x128xf32>
    %get3A_100 = arith.constant 1 : index
    %get3A_101 = arith.constant 0 : index
    %get3A_102 = arith.constant 0 : index
    %get3A_103 = vector.load %arg5[%get3A_100, %get3A_101, %get3A_102] : memref<5x128x128xf32, #tpu.memory_space<vmem>>, vector<1x128x128xf32>
    %get3A_104 = vector.shape_cast %get3A_103 : vector<1x128x128xf32> to vector<128x128xf32>
    %dot_general3A_105 = arith.constant dense<0.000000e+00> : vector<1000x128xf32>
    %dot_general3A_106 = tpu.matmul %max3A_99, %get3A_104, %dot_general3A_105 {dimension_numbers = #tpu.dot_dimension_numbers<[1], [0], [0], [1], [0, 0, 1, 1], [], []>, transpose_lhs_hint = false} : vector<1000x128xf32>, vector<128x128xf32>, vector<1000x128xf32> -> vector<1000x128xf32>
    %get3A_107 = arith.constant 1 : index
    %get3A_108 = arith.constant 0 : index
    %get3A_109 = vector.load %arg6[%get3A_107, %get3A_108] : memref<5x128xf32, #tpu.memory_space<vmem>>, vector<1x128xf32>
    %get3A_110 = vector.shape_cast %get3A_109 : vector<1x128xf32> to vector<128xf32>
    %broadcast_in_dim3A_111 = vector.shape_cast %get3A_110 : vector<128xf32> to vector<1x128xf32>
    %add3A_112 = vector.broadcast %broadcast_in_dim3A_111 : vector<1x128xf32> to vector<1000x128xf32>
    %add3A_113 = arith.addf %dot_general3A_106, %add3A_112 : vector<1000x128xf32>
    %max3A_114 = arith.constant 0.000000e+00 : f32
    %max3A_115 = vector.broadcast %max3A_114 : f32 to vector<1000x128xf32>
    %max3A_116 = arith.maximumf %add3A_113, %max3A_115 : vector<1000x128xf32>
    %swap3A_117 = arith.constant 1 : index
    %swap3A_118 = arith.constant 0 : index
    %swap3A_119 = arith.constant 0 : index
    %swap3A_120 = vector.load %arg7[%swap3A_117, %swap3A_118, %swap3A_119] : memref<5x1000x128xf32, #tpu.memory_space<vmem>>, vector<1x1000x128xf32>
    %swap3A_121 = vector.shape_cast %swap3A_120 : vector<1x1000x128xf32> to vector<1000x128xf32>
    %swap3A_122 = vector.shape_cast %max3A_116 : vector<1000x128xf32> to vector<1x1000x128xf32>
    tpu.vector_store %arg7[%swap3A_117, %swap3A_118, %swap3A_119], %swap3A_122 {strides = array<i32>} : memref<5x1000x128xf32, #tpu.memory_space<vmem>>, vector<1x1000x128xf32>,
    %get3A_123 = arith.constant 2 : index
    %get3A_124 = arith.constant 0 : index
    %get3A_125 = arith.constant 0 : index
    %get3A_126 = vector.load %arg3[%get3A_123, %get3A_124, %get3A_125] : memref<5x128x128xf32, #tpu.memory_space<vmem>>, vector<1x128x128xf32>
    %get3A_127 = vector.shape_cast %get3A_126 : vector<1x128x128xf32> to vector<128x128xf32>
    %dot_general3A_128 = arith.constant dense<0.000000e+00> : vector<1000x128xf32>
    %dot_general3A_129 = tpu.matmul %add3A_46, %get3A_127, %dot_general3A_128 {dimension_numbers = #tpu.dot_dimension_numbers<[1], [0], [0], [1], [0, 0, 1, 1], [], []>, transpose_lhs_hint = false} : vector<1000x128xf32>, vector<128x128xf32>, vector<1000x128xf32> -> vector<1000x128xf32>
    %get3A_130 = arith.constant 2 : index
    %get3A_131 = arith.constant 0 : index
    %get3A_132 = vector.load %arg4[%get3A_130, %get3A_131] : memref<5x128xf32, #tpu.memory_space<vmem>>, vector<1x128xf32>
    %get3A_133 = vector.shape_cast %get3A_132 : vector<1x128xf32> to vector<128xf32>
    %broadcast_in_dim3A_134 = vector.shape_cast %get3A_133 : vector<128xf32> to vector<1x128xf32>
    %add3A_135 = vector.broadcast %broadcast_in_dim3A_134 : vector<1x128xf32> to vector<1000x128xf32>
    %add3A_136 = arith.addf %dot_general3A_129, %add3A_135 : vector<1000x128xf32>
    %max3A_137 = arith.constant 0.000000e+00 : f32
    %max3A_138 = vector.broadcast %max3A_137 : f32 to vector<1000x128xf32>
    %max3A_139 = arith.maximumf %add3A_136, %max3A_138 : vector<1000x128xf32>
    %get3A_140 = arith.constant 2 : index
    %get3A_141 = arith.constant 0 : index
    %get3A_142 = arith.constant 0 : index
    %get3A_143 = vector.load %arg5[%get3A_140, %get3A_141, %get3A_142] : memref<5x128x128xf32, #tpu.memory_space<vmem>>, vector<1x128x128xf32>
    %get3A_144 = vector.shape_cast %get3A_143 : vector<1x128x128xf32> to vector<128x128xf32>
    %dot_general3A_145 = arith.constant dense<0.000000e+00> : vector<1000x128xf32>
    %dot_general3A_146 = tpu.matmul %max3A_139, %get3A_144, %dot_general3A_145 {dimension_numbers = #tpu.dot_dimension_numbers<[1], [0], [0], [1], [0, 0, 1, 1], [], []>, transpose_lhs_hint = false} : vector<1000x128xf32>, vector<128x128xf32>, vector<1000x128xf32> -> vector<1000x128xf32>
    %get3A_147 = arith.constant 2 : index
    %get3A_148 = arith.constant 0 : index
    %get3A_149 = vector.load %arg6[%get3A_147, %get3A_148] : memref<5x128xf32, #tpu.memory_space<vmem>>, vector<1x128xf32>
    %get3A_150 = vector.shape_cast %get3A_149 : vector<1x128xf32> to vector<128xf32>
    %broadcast_in_dim3A_151 = vector.shape_cast %get3A_150 : vector<128xf32> to vector<1x128xf32>
    %add3A_152 = vector.broadcast %broadcast_in_dim3A_151 : vector<1x128xf32> to vector<1000x128xf32>
    %add3A_153 = arith.addf %dot_general3A_146, %add3A_152 : vector<1000x128xf32>
    %max3A_154 = arith.constant 0.000000e+00 : f32
    %max3A_155 = vector.broadcast %max3A_154 : f32 to vector<1000x128xf32>
    %max3A_156 = arith.maximumf %add3A_153, %max3A_155 : vector<1000x128xf32>
    %swap3A_157 = arith.constant 2 : index
    %swap3A_158 = arith.constant 0 : index
    %swap3A_159 = arith.constant 0 : index
    %swap3A_160 = vector.load %arg7[%swap3A_157, %swap3A_158, %swap3A_159] : memref<5x1000x128xf32, #tpu.memory_space<vmem>>, vector<1x1000x128xf32>
    %swap3A_161 = vector.shape_cast %swap3A_160 : vector<1x1000x128xf32> to vector<1000x128xf32>
    %swap3A_162 = vector.shape_cast %max3A_156 : vector<1000x128xf32> to vector<1x1000x128xf32>
    tpu.vector_store %arg7[%swap3A_157, %swap3A_158, %swap3A_159], %swap3A_162 {strides = array<i32>} : memref<5x1000x128xf32, #tpu.memory_space<vmem>>, vector<1x1000x128xf32>,
    %get3A_163 = arith.constant 3 : index
    %get3A_164 = arith.constant 0 : index
    %get3A_165 = arith.constant 0 : index
    %get3A_166 = vector.load %arg3[%get3A_163, %get3A_164, %get3A_165] : memref<5x128x128xf32, #tpu.memory_space<vmem>>, vector<1x128x128xf32>
    %get3A_167 = vector.shape_cast %get3A_166 : vector<1x128x128xf32> to vector<128x128xf32>
    %dot_general3A_168 = arith.constant dense<0.000000e+00> : vector<1000x128xf32>
    %dot_general3A_169 = tpu.matmul %add3A_46, %get3A_167, %dot_general3A_168 {dimension_numbers = #tpu.dot_dimension_numbers<[1], [0], [0], [1], [0, 0, 1, 1], [], []>, transpose_lhs_hint = false} : vector<1000x128xf32>, vector<128x128xf32>, vector<1000x128xf32> -> vector<1000x128xf32>
    %get3A_170 = arith.constant 3 : index
    %get3A_171 = arith.constant 0 : index
    %get3A_172 = vector.load %arg4[%get3A_170, %get3A_171] : memref<5x128xf32, #tpu.memory_space<vmem>>, vector<1x128xf32>
    %get3A_173 = vector.shape_cast %get3A_172 : vector<1x128xf32> to vector<128xf32>
    %broadcast_in_dim3A_174 = vector.shape_cast %get3A_173 : vector<128xf32> to vector<1x128xf32>
    %add3A_175 = vector.broadcast %broadcast_in_dim3A_174 : vector<1x128xf32> to vector<1000x128xf32>
    %add3A_176 = arith.addf %dot_general3A_169, %add3A_175 : vector<1000x128xf32>
    %max3A_177 = arith.constant 0.000000e+00 : f32
    %max3A_178 = vector.broadcast %max3A_177 : f32 to vector<1000x128xf32>
    %max3A_179 = arith.maximumf %add3A_176, %max3A_178 : vector<1000x128xf32>
    %get3A_180 = arith.constant 3 : index
    %get3A_181 = arith.constant 0 : index
    %get3A_182 = arith.constant 0 : index
    %get3A_183 = vector.load %arg5[%get3A_180, %get3A_181, %get3A_182] : memref<5x128x128xf32, #tpu.memory_space<vmem>>, vector<1x128x128xf32>
    %get3A_184 = vector.shape_cast %get3A_183 : vector<1x128x128xf32> to vector<128x128xf32>
    %dot_general3A_185 = arith.constant dense<0.000000e+00> : vector<1000x128xf32>
    %dot_general3A_186 = tpu.matmul %max3A_179, %get3A_184, %dot_general3A_185 {dimension_numbers = #tpu.dot_dimension_numbers<[1], [0], [0], [1], [0, 0, 1, 1], [], []>, transpose_lhs_hint = false} : vector<1000x128xf32>, vector<128x128xf32>, vector<1000x128xf32> -> vector<1000x128xf32>
    %get3A_187 = arith.constant 3 : index
    %get3A_188 = arith.constant 0 : index
    %get3A_189 = vector.load %arg6[%get3A_187, %get3A_188] : memref<5x128xf32, #tpu.memory_space<vmem>>, vector<1x128xf32>
    %get3A_190 = vector.shape_cast %get3A_189 : vector<1x128xf32> to vector<128xf32>
    %broadcast_in_dim3A_191 = vector.shape_cast %get3A_190 : vector<128xf32> to vector<1x128xf32>
    %add3A_192 = vector.broadcast %broadcast_in_dim3A_191 : vector<1x128xf32> to vector<1000x128xf32>
    %add3A_193 = arith.addf %dot_general3A_186, %add3A_192 : vector<1000x128xf32>
    %max3A_194 = arith.constant 0.000000e+00 : f32
    %max3A_195 = vector.broadcast %max3A_194 : f32 to vector<1000x128xf32>
    %max3A_196 = arith.maximumf %add3A_193, %max3A_195 : vector<1000x128xf32>
    %swap3A_197 = arith.constant 3 : index
    %swap3A_198 = arith.constant 0 : index
    %swap3A_199 = arith.constant 0 : index
    %swap3A_200 = vector.load %arg7[%swap3A_197, %swap3A_198, %swap3A_199] : memref<5x1000x128xf32, #tpu.memory_space<vmem>>, vector<1x1000x128xf32>
    %swap3A_201 = vector.shape_cast %swap3A_200 : vector<1x1000x128xf32> to vector<1000x128xf32>
    %swap3A_202 = vector.shape_cast %max3A_196 : vector<1000x128xf32> to vector<1x1000x128xf32>
    tpu.vector_store %arg7[%swap3A_197, %swap3A_198, %swap3A_199], %swap3A_202 {strides = array<i32>} : memref<5x1000x128xf32, #tpu.memory_space<vmem>>, vector<1x1000x128xf32>,
    %get3A_203 = arith.constant 4 : index
    %get3A_204 = arith.constant 0 : index
    %get3A_205 = arith.constant 0 : index
    %get3A_206 = vector.load %arg3[%get3A_203, %get3A_204, %get3A_205] : memref<5x128x128xf32, #tpu.memory_space<vmem>>, vector<1x128x128xf32>
    %get3A_207 = vector.shape_cast %get3A_206 : vector<1x128x128xf32> to vector<128x128xf32>
    %dot_general3A_208 = arith.constant dense<0.000000e+00> : vector<1000x128xf32>
    %dot_general3A_209 = tpu.matmul %add3A_46, %get3A_207, %dot_general3A_208 {dimension_numbers = #tpu.dot_dimension_numbers<[1], [0], [0], [1], [0, 0, 1, 1], [], []>, transpose_lhs_hint = false} : vector<1000x128xf32>, vector<128x128xf32>, vector<1000x128xf32> -> vector<1000x128xf32>
    %get3A_210 = arith.constant 4 : index
    %get3A_211 = arith.constant 0 : index
    %get3A_212 = vector.load %arg4[%get3A_210, %get3A_211] : memref<5x128xf32, #tpu.memory_space<vmem>>, vector<1x128xf32>
    %get3A_213 = vector.shape_cast %get3A_212 : vector<1x128xf32> to vector<128xf32>
    %broadcast_in_dim3A_214 = vector.shape_cast %get3A_213 : vector<128xf32> to vector<1x128xf32>
    %add3A_215 = vector.broadcast %broadcast_in_dim3A_214 : vector<1x128xf32> to vector<1000x128xf32>
    %add3A_216 = arith.addf %dot_general3A_209, %add3A_215 : vector<1000x128xf32>
    %max3A_217 = arith.constant 0.000000e+00 : f32
    %max3A_218 = vector.broadcast %max3A_217 : f32 to vector<1000x128xf32>
    %max3A_219 = arith.maximumf %add3A_216, %max3A_218 : vector<1000x128xf32>
    %get3A_220 = arith.constant 4 : index
    %get3A_221 = arith.constant 0 : index
    %get3A_222 = arith.constant 0 : index
    %get3A_223 = vector.load %arg5[%get3A_220, %get3A_221, %get3A_222] : memref<5x128x128xf32, #tpu.memory_space<vmem>>, vector<1x128x128xf32>
    %get3A_224 = vector.shape_cast %get3A_223 : vector<1x128x128xf32> to vector<128x128xf32>
    %dot_general3A_225 = arith.constant dense<0.000000e+00> : vector<1000x128xf32>
    %dot_general3A_226 = tpu.matmul %max3A_219, %get3A_224, %dot_general3A_225 {dimension_numbers = #tpu.dot_dimension_numbers<[1], [0], [0], [1], [0, 0, 1, 1], [], []>, transpose_lhs_hint = false} : vector<1000x128xf32>, vector<128x128xf32>, vector<1000x128xf32> -> vector<1000x128xf32>
    %get3A_227 = arith.constant 4 : index
    %get3A_228 = arith.constant 0 : index
    %get3A_229 = vector.load %arg6[%get3A_227, %get3A_228] : memref<5x128xf32, #tpu.memory_space<vmem>>, vector<1x128xf32>
    %get3A_230 = vector.shape_cast %get3A_229 : vector<1x128xf32> to vector<128xf32>
    %broadcast_in_dim3A_231 = vector.shape_cast %get3A_230 : vector<128xf32> to vector<1x128xf32>
    %add3A_232 = vector.broadcast %broadcast_in_dim3A_231 : vector<1x128xf32> to vector<1000x128xf32>
    %add3A_233 = arith.addf %dot_general3A_226, %add3A_232 : vector<1000x128xf32>
    %swap3A_234 = arith.constant 4 : index
    %swap3A_235 = arith.constant 0 : index
    %swap3A_236 = arith.constant 0 : index
    %swap3A_237 = vector.load %arg7[%swap3A_234, %swap3A_235, %swap3A_236] : memref<5x1000x128xf32, #tpu.memory_space<vmem>>, vector<1x1000x128xf32>
    %swap3A_238 = vector.shape_cast %swap3A_237 : vector<1x1000x128xf32> to vector<1000x128xf32>
    %swap3A_239 = vector.shape_cast %add3A_233 : vector<1000x128xf32> to vector<1x1000x128xf32>
    tpu.vector_store %arg7[%swap3A_234, %swap3A_235, %swap3A_236], %swap3A_239 {strides = array<i32>} : memref<5x1000x128xf32, #tpu.memory_space<vmem>>, vector<1x1000x128xf32>,
    return
  }
  func.func @transform_0(%arg0: i32) -> (i32, i32) {
    %c0_i32 = arith.constant 0 : i32
    %c0_i32_0 = arith.constant 0 : i32
    return %arg0, %c0_i32 : i32, i32
  }
  func.func @transform_1(%arg0: i32) -> (i32, i32, i32, i32) {
    %c0_i32 = arith.constant 0 : i32
    %c0_i32_0 = arith.constant 0 : i32
    %c0_i32_1 = arith.constant 0 : i32
    %c0_i32_2 = arith.constant 0 : i32
    return %c0_i32, %c0_i32_0, %arg0, %c0_i32_1 : i32, i32, i32, i32
  }
  func.func @transform_2(%arg0: i32) -> (i32, i32, i32) {
    %c0_i32 = arith.constant 0 : i32
    %c0_i32_0 = arith.constant 0 : i32
    %c0_i32_1 = arith.constant 0 : i32
    %c0_i32_2 = arith.constant 0 : i32
    return %c0_i32, %c0_i32_0, %c0_i32_1 : i32, i32, i32
  }
  func.func @transform_3(%arg0: i32) -> (i32, i32) {
    %c0_i32 = arith.constant 0 : i32
    %c0_i32_0 = arith.constant 0 : i32
    %c0_i32_1 = arith.constant 0 : i32
    return %c0_i32, %c0_i32_0 : i32, i32
  }
  func.func @transform_4(%arg0: i32) -> (i32, i32, i32) {
    %c0_i32 = arith.constant 0 : i32
    %c0_i32_0 = arith.constant 0 : i32
    %c0_i32_1 = arith.constant 0 : i32
    %c0_i32_2 = arith.constant 0 : i32
    return %c0_i32, %c0_i32_0, %c0_i32_1 : i32, i32, i32
  }
  func.func @transform_5(%arg0: i32) -> (i32, i32) {
    %c0_i32 = arith.constant 0 : i32
    %c0_i32_0 = arith.constant 0 : i32
    %c0_i32_1 = arith.constant 0 : i32
    return %c0_i32, %c0_i32_0 : i32, i32
  }
  func.func @transform_6(%arg0: i32) -> (i32, i32, i32) {
    %c0_i32 = arith.constant 0 : i32
    %c0_i32_0 = arith.constant 0 : i32
    %c0_i32_1 = arith.constant 0 : i32
    return %c0_i32, %arg0, %c0_i32_0 : i32, i32, i32
  }
}

</mosaic_0001>

<sc_bundles>
// kernel: kernel.4.cloned.1.call-start
scs
__scs_entry_jumppad:
0x0: {  	(pc) =	sbr.rel $0x88, $3  }
0x1: {  	(tag) =	ssettag $0x0;
	lr =	simm.s32 $0x1  }
0x2: {  	[smem:$0x3F97] =	sst lr;
	_ =	strace $0xD0000000  }
0x3: {  	_ = 	snop  }
0x4: {  	_ = 	snop  }
0x5: {  	_ = 	snop  }
0x6: {  	_ = 	snop  }
0x7: {  	_ = 	snop  }
__scs_overlays_trampoline_lowered:
0x8: {  	[smem:$0x3FA6] =	sst s0  }
0x9: {  	[smem:$0x3FA7] =	sst s1  }
0xa: {  	[smem:$0x3FA8] =	sst s2  }
0xb: {  	[smem:$0x3FA9] =	sst s3  }
0xc: {  	[smem:$0x3FAA] =	sst s4  }
0xd: {  	[smem:$0x3FAB] =	sst s5  }
0xe: {  	[smem:$0x3FAC] =	sst s6  }
0xf: {  	[smem:$0x3FAD] =	sst s7  }
0x10: {  	[smem:$0x3FAE] =	sst s8  }
0x11: {  	[smem:$0x3FAF] =	sst s9;
	s0 =	simm.s32 @!p0 $0x0  }
0x12: {  	s1 =	sld [smem:$0x3F95];
	s0 =	simm.s32 @p0 $0x1  }
0x13: {  	[smem:$0x3FB0] =	sst s0;
	s0 =	simm.s32 @!p1 $0x0  }
0x14: {  	s2 =	sld [smem:$0x3F94];
	s0 =	simm.s32 @p1 $0x1  }
0x15: {  	[smem:$0x3FB1] =	sst s0;
	s0 =	simm.s32 @!p2 $0x0  }
0x16: {  	s3 =	sld [smem:$0x3FDB];
	s0 =	simm.s32 @p2 $0x1  }
0x17: {  	s4 =	simm.s32 $0x1BF5;
	[smem:$0x3FB3] =	sst s0  }
0x18: {  	s0 =	sld [smem:$0x3F96];
	_ =	swait.ge [sflag:s4], $0x0  }
0x19: {  	s7 =	sld [smem:$0x3F97]  }
0x1a: {  	s8 =	sadd.s32 $0xFFFFE003, lr  }
0x1b: {  	s9 =	sadd.s32 $0xFFFFFEF7, lr;
	s5 =	simm.s32 $0xFFFFFFFF;
	p2 =	slt.u32 s8, $0xFFFFF086  }
0x1c: {  	p1 =	slt.u32 s9, $0xF7A;
	s5 =	simm.s32 @!p2 $0x0  }
0x1d: {  	s5 =	simm.s32 @p1 $0x1;
	p0 =	seq.s32 s7, s2  }
0x1e: {  	s7 =	smul.u32 @!p0 $0xF7A, s2;
	p2 =	seq.s32 @!p0 s5, $0x0  }
0x1f: {  	s9 =	smul.u32 $0xF7A, s1;
	s8 =	simm.s32 @!p0 $0x1BF5;
	p2 =	por !p2, p0  }
0x20: {  	[sflag:s8] =	ssyncset.s32 @!p0 $0xFFFFF086;
	s6 =	sadd.s32 @!p0 s3, s7;
	s7 =	simm.s32 @!p0 $0x108  }
0x21: {  	s3 =	sadd.s32 s3, s9;
	s6 =	sadd.s32 @!p0 $0x88, s6;
	s7 =	simm.s32 @p2 $0x1082  }
0x22: {  	[simem:s7], [sflag:s8] =	dma.local @!p0 [hbm:s6], $0xF7A  }
0x23: {  	s9 =	sor.u32 $0xD0000000, s2;
	s6 =	simm.s32 $0x108;
	_ =	swait.ge @!p0 [sflag:s8], $0x0  }
0x24: {  	s3 =	sadd.s32 $0x88, s3;
	s6 =	simm.s32 @!p1 $0x1082;
	[sflag:s4] =	ssyncset.s32 $0xFFFFF086  }
0x25: {  	[simem:s6], [sflag:s4] =	dma.local [hbm:s3], $0xF7A  }
0x26: {  	[smem:$0x3F97] =	sst s1;
	(tag) =	ssettag s2;
	_ =	strace s9  }
0x27: {  	s1 =	sld [smem:$0x3FA7]  }
0x28: {  	s2 =	sld [smem:$0x3FA8]  }
0x29: {  	s4 =	sld [smem:$0x3FAA]  }
0x2a: {  	p0 =	seq.s32 s5, $0x0;
	s5 =	sld [smem:$0x3FAB]  }
0x2b: {  	s6 =	sld [smem:$0x3FAC]  }
0x2c: {  	s7 =	sld [smem:$0x3FAD]  }
0x2d: {  	s3 =	simm.s32 $0x108;
	s8 =	sld [smem:$0x3FAE]  }
0x2e: {  	s3 =	simm.s32 @!p0 $0x1082;
	s9 =	sld [smem:$0x3FAF]  }
0x2f: {  	lr =	sadd.s32 s0, s3;
	s0 =	sld [smem:$0x3FA6]  }
0x30: {  	s3 =	sld [smem:$0x3FA9]  }
0x31: {  	[smem:$0x3FB2] =	sst s10  }
0x32: {  	s10 =	sld [smem:$0x3FB0];
	_ =	sdelay $0x3  }
0x33: {  	p0 =	seq.s32 s10, $0x1;
	s10 =	sld [smem:$0x3FB2];
	_ =	sdelay $0x3  }
0x34: {  	[smem:$0x3FB2] =	sst s10  }
0x35: {  	s10 =	sld [smem:$0x3FB1];
	_ =	sdelay $0x3  }
0x36: {  	p1 =	seq.s32 s10, $0x1;
	s10 =	sld [smem:$0x3FB2];
	_ =	sdelay $0x3  }
0x37: {  	[smem:$0x3FB2] =	sst s10  }
0x38: {  	s10 =	sld [smem:$0x3FB3]  }
0x39: {  	_ = 	snop;
	(pc) =	sbr.ind lr, $3  }
0x3a: {  	_ = 	snop  }
0x3b: {  	_ = 	snop  }
0x3c: {  	p2 =	seq.s32 s10, $0x1;
	s10 =	sld [smem:$0x3FB2]  }
0x3d: {  	_ =	shalt  }
0x3e: {  	_ =	shalt  }
0x3f: {  	_ =	shalt  }
0x40: {  	_ =	shalt  }
0x41: {  	_ =	shalt  }
0x42: {  	_ =	shalt  }
0x43: {  	_ =	shalt  }
0x44: {  	_ =	shalt  }
0x45: {  	_ =	shalt  }
0x46: {  	_ =	shalt  }
0x47: {  	_ =	shalt  }
0x48: {  	_ =	shalt  }
0x49: {  	_ =	shalt  }
0x4a: {  	_ =	shalt  }
0x4b: {  	_ =	shalt  }
0x4c: {  	_ =	shalt  }
0x4d: {  	_ =	shalt  }
0x4e: {  	_ =	shalt  }
0x4f: {  	_ =	shalt  }
0x50: {  	_ =	shalt  }
0x51: {  	_ =	shalt  }
0x52: {  	_ =	shalt  }
0x53: {  	_ =	shalt  }
0x54: {  	_ =	shalt  }
0x55: {  	_ =	shalt  }
0x56: {  	_ =	shalt  }
0x57: {  	_ =	shalt  }
0x58: {  	_ =	shalt  }
0x59: {  	_ =	shalt  }
0x5a: {  	_ =	shalt  }
0x5b: {  	_ =	shalt  }
0x5c: {  	_ =	shalt  }
0x5d: {  	_ =	shalt  }
0x5e: {  	_ =	shalt  }
0x5f: {  	_ =	shalt  }
0x60: {  	_ =	shalt  }
0x61: {  	_ =	shalt  }
0x62: {  	_ =	shalt  }
0x63: {  	_ =	shalt  }
0x64: {  	_ =	shalt  }
0x65: {  	_ =	shalt  }
0x66: {  	_ =	shalt  }
0x67: {  	_ =	shalt  }
0x68: {  	_ =	shalt  }
0x69: {  	_ =	shalt  }
0x6a: {  	_ =	shalt  }
0x6b: {  	_ =	shalt  }
0x6c: {  	_ =	shalt  }
0x6d: {  	_ =	shalt  }
0x6e: {  	_ =	shalt  }
0x6f: {  	_ =	shalt  }
0x70: {  	_ =	shalt  }
0x71: {  	_ =	shalt  }
0x72: {  	_ =	shalt  }
0x73: {  	_ =	shalt  }
0x74: {  	_ =	shalt  }
0x75: {  	_ =	shalt  }
0x76: {  	_ =	shalt  }
0x77: {  	_ =	shalt  }
0x78: {  	_ =	shalt  }
0x79: {  	_ =	shalt  }
0x7a: {  	_ =	shalt  }
0x7b: {  	_ =	shalt  }
0x7c: {  	_ =	shalt  }
0x7d: {  	_ =	shalt  }
0x7e: {  	_ =	shalt  }
0x7f: {  	_ =	shalt  }
0x80: {  	_ =	shalt  }
0x81: {  	_ =	shalt  }
0x82: {  	_ =	shalt  }
0x83: {  	_ =	shalt  }
0x84: {  	_ =	shalt  }
0x85: {  	_ =	shalt  }
0x86: {  	_ =	shalt  }
0x87: {  	_ =	shalt  }
.Lfunc_end0:
.L_simem_size_0:
called_computation_lowered:
.L_overlay_start_0:
0x88: {  	s2 =	sld [smem:$0x3FD9]  }
0x89: {  	s3 =	sld [smem:$0x3FFE];
	_ =	sdelay $0x1  }
0x8a: {  	s1 =	srdreg.scid  }
0x8b: {  	s0 =	sand.u32 $0x1, s1  }
0x8c: {  	s17 =	sshll.u32 s0, $0xA;
	s2 =	sadd.s32 s3, s2  }
0x8d: {  	s2 =	sadd.s32 s2, s17  }
0x8e: {  	[smem:$0x3FBE] =	sst s2  }
0x8f: {  	_ = 	snop  }
0x90: {  	s2 =	sld [smem:$0x3FD0];
	(tm) =	ssettm $0x1  }
0x91: {  	s18 =	sld [smem:$0x3FFB];
	_ =	sdelay $0x3  }
0x92: {  	_ =	strace s18  }
0x93: {  	s3 =	sld [smem:$0x3FFC];
	_ =	sdelay $0x3  }
0x94: {  	_ =	strace s3  }
0x95: {  	s3 =	sld [smem:$0x3FFD];
	_ =	sdelay $0x3  }
0x96: {  	_ =	strace s3  }
0x97: {  	_ =	strace $0x8FFFFFFF  }
0x98: {  	s19 =	sld [smem:$0x3FDB];
	_ =	sdelay $0x1  }
0x99: {  	s4 =	simm.s32 $_scs_section_size  }
0x9a: {  	s5 =	simm.s32 $_size__tile_overlayer_lowered;
	s6 =	simm.s32 $_tile_overlayer_lowered  }
0x9b: {  	s22 =	simm.s32 $0x1BFF;
	s21 =	sshll.u32 s6, $0x1;
	s3 =	sadd.s32 s4, s19  }
0x9c: {  	s7 =	simm.s32 $0x0;
	s20 =	sshll.u32 s5, $0x1;
	s5 =	sadd.s32 s21, s3  }
0x9d: {  	[timem:s7], [sflag:s22] =	dma.local [hbm:s5], s20  }
0x9e: {  	_ =	swait.ge [sflag:s22], s20  }
0x9f: {  	s4 =	ssub.s32 $0x0, s20;
	[sflag:s22] =	ssyncset.done $0x0  }
0xa0: {  	[sflag:s22] =	ssyncadd.s32 s4;
	_ =	sdelay $0x1  }
0xa1: {  	s23 =	simm.s32 $0x1B8B  }
0xa2: {  	_ =	swait.ge [sflag:s23], $0x1  }
0xa3: {  	[sflag:s23] =	ssyncset.done $0x0  }
0xa4: {  	s25 =	simm.s32 $0x1B8E;
	s24 =	sld [smem:$0x3FFE];
	[sflag:s23] =	ssyncadd.s32 $0xFFFFFFFF  }
0xa5: {  	s26 =	simm.s32 $execute0_lowered;
	[smem:$0x3FD2] =	sst s25  }
0xa6: {  	s5 =	sshll.u32 s26, $0x1;
	_ =	strace $0x80000046;
	[dreg:$0x1] =	wrdreg $0xFFFFFFFF  }
0xa7: {  	s28 =	simm.s32 $_size_execute0_lowered;
	s3 =	sadd.s32 s3, s5;
	[dreg:$0x0] =	wrdreg $0x0  }
0xa8: {  	s5 =	sshll.u32 s28, $0x1;
	[dreg:$0x2] =	wrdreg s3  }
0xa9: {  	[dreg:$0x3] =	wrdreg s5  }
0xaa: {  	[dreg:$0x4] =	wrdreg $0xC0  }
0xab: {  	_ =	task [dreg:s7], $0x5FFFF  }
0xac: {  	[dreg:$0x1] =	wrdreg $0xFFFFFFFF  }
0xad: {  	[dreg:$0x0] =	wrdreg $0x60  }
0xae: {  	[dreg:$0x2] =	wrdreg s24  }
0xaf: {  	[dreg:$0x3] =	wrdreg s2  }
0xb0: {  	[dreg:$0x4] =	wrdreg $0xE0000  }
0xb1: {  	[dreg:$0x5] =	wrdreg $0x9  }
0xb2: {  	_ =	task.clear_ibuf [dreg:s7], $0x6FFFF;
	_ =	strace $0x90000046  }
0xb3: {  	s29 =	simm.s32 $0x9;
	_ =	strace $0x80000048  }
0xb4: {  	_ =	swait.ge [sflag:s29], $0x1  }
0xb5: {  	[sflag:s29] =	ssyncadd.s32 $0xFFFFFFFF  }
0xb6: {  	_ =	strace $0x90000048  }
0xb7: {  	_ =	sfence  }
0xb8: {  	s30 =	sld [smem:$0x0];
	_ =	sdelay $0x2  }
0xb9: {  	s31 =	sshll.u32 s1, $0xD;
	s1 =	sshrl.u32 s1, $0x2  }
0xba: {  	s3 =	sand.u32 $0x4000, s31;
	s1 =	sadd.s32 s1, s30  }
0xbb: {  	s0 =	sor.u32 s3, s0;
	s1 =	sshll.u32 s1, $0x11  }
0xbc: {  	s0 =	sor.u32 s1, s0  }
0xbd: {  	s0 =	sadd.s32 $0x8F2B, s0  }
0xbe: {  	[sflag:s0] =	ssyncadd.remote.s32 $0x1  }
0xbf: {  	_ =	sfence.sel $0xFFFF  }
0xc0: {  	[dreg:$0x0] =	wrdreg $0xFFFFFFFF;
	(pc) =	sbr.abs _section_cstart, $3  }
0xc1: {  	[dreg:$0x1] =	wrdreg $0xFFFFFFFF  }
0xc2: {  	_ =	task.clear_ibuf [dreg:s7], $0x2FFFF;
	_ =	strace $0x9FFFFFFF  }
0xc3: {  	(tm) =	ssettm $0x7FFFFFFF  }
tec
execute0_lowered:
.L_overlay_start_1:
0x0: {  	(tag) =	ssettag $0x1  }
0x1: {  	s4 =	rddreg [dreg:$0x0]  }
0x2: {  	s9 =	rddreg [dreg:$0x1];
	s0 =	srdreg.scid  }
0x3: {  	s2 =	rddreg [dreg:$0x2];
	s1 =	stileid.u32  }
0x4: {  	s3 =	simm.s32 $0x0;
	s14 =	simm.s32 $0xA000;
	s15 =	simm.s32 $0xB000  }
0x5: {  	s16 =	simm.s32 $0x100;
	s17 =	simm.s32 $0xC000;
	s18 =	simm.s32 $0x0  }
0x6: {  	s5 =	sand.u32 $0x1, s0;
	s0 =	rddreg [dreg:$0x3];
	s7 =	smul.u32 $0xA00, s1  }
0x7: {  	[smem:$0x7FF] =	sst s3;
	s8 =	smul.u32 $0x1E000, s1;
	s30 =	sshll.u32 s1, $0x6  }
0x8: {  	s6 =	smul.u32 $0x9C40, s5;
	_ =	strace $0x80000047;
	s11 =	ssub.s32 $0x2, s5  }
0x9: {  	s5 =	smul.u32 $0x1E0000, s5;
	s7 =	sadd.s32 s7, s4;
	s28 =	sshrl.u32 s8, $0x4  }
0xa: {  	s12 =	sshrl.u32 s11, $0x1;
	s13 =	sshrl.u32 s8, $0x1;
	s10 =	sadd.s32 s6, s4  }
0xb: {  	s4 =	sadd.s32 s28, s4;
	s11 =	ssub.s32 s11, s12;
	s29 =	sadd.s32 s13, s2  }
0xc: {  	s8 =	sadd.s32 s8, s5;
	s5 =	sor.u32 $0x1C05, s30;
	s6 =	sadd.s32 $0x3D800, s7  }
0xd: {  	s7 =	sadd.s32 $0x33800, s7;
	s12 =	simm.s32 $0x5;
	s13 =	simm.s32 $0x80  }
0xe: {  	s4 =	sadd.s32 $0x15800, s4;
	s31 =	sshrl.u32 s8, $0x4;
	s8 =	sadd.s32 $0x1E00, s10  }
0xf: {  	s10 =	smax.u32 s11, $0x1;
	s11 =	sshrl.u32 s29, $0x3;
	s9 =	sadd.s32 s9, s31  }
.LBB2_1:
0x10: {  	[spmem:s11], [sflag:s5] =	dma.local [hbm:s4], $0x1E00  }
0x11: {  	_ =	swait.ge [sflag:s12], $0x1E00  }
0x12: {  	[sflag:s12] =	ssyncset.done $0x0  }
0x13: {  	[sflag:s12] =	ssyncadd.s32 $0xFFFFE200  }
0x14: {  	[tilespmem:s3], [sflag:$0x5] =	stream.linear.gather [hbm4b:s6+s3], $0x5000, $0x38;
	[tilespmem:$0x1D000] =	vst v63  }
0x15: {  	_ =	swait.ge [sflag:s12], $0x5000  }
0x16: {  	[sflag:s12] =	ssyncset.done $0x0  }
0x17: {  	s19 =	simm.s32 $0x5000;
	[sflag:s12] =	ssyncadd.s32 $0xFFFFB000  }
0x18: {  	[tilespmem:s19], [sflag:$0x5] =	stream.linear.gather [hbm4b:s7+s3], $0x5000, $0x38;
	[tilespmem:$0x1D000] =	vst v63  }
0x19: {  	_ =	swait.ge [sflag:s12], $0x5000  }
0x1a: {  	[sflag:s12] =	ssyncset.done $0x0  }
0x1b: {  	[sflag:s12] =	ssyncadd.s32 $0xFFFFB000  }
0x1c: {  	s20 =	simm.s32 $0x3;
	p0 =	por $0x0, $0x0;
	[bflag:$0x0] =	sbarrier.arrive $0xFFFF  }
0x1d: {  	[tilespmem:s14], [sflag:$0x1] =	stream.indirect.gather [hbm4b:s8+s13], $0x20, s3, s13, $0xb8;
	[tilespmem:$0x1D000] =	vst v63  }
0x1e: {  	s21 =	simm.s32 $0x180;
	s22 =	simm.s32 $0x0;
	s20 =	sand.u32 @!p0 $0x3, s20  }
0x1f: {  	[tilespmem:s15], [sflag:$0x2] =	stream.indirect.gather [hbm4b:s8+s13], $0x20, s13, s13, $0xb8;
	[tilespmem:$0x1D000] =	vst v63  }
0x20: {  	s24 =	simm.s32 @!p0 $0x80;
	s22 =	sand.u32 $0x3, s22;
	s23 =	sshll.u32 @!p0 s20, $0xC  }
0x21: {  	[tilespmem:s17], [sflag:$0x3] =	stream.indirect.gather [hbm4b:s8+s13], $0x20, s16, s13, $0xb8;
	[tilespmem:$0x1D000] =	vst v63  }
0x22: {  	s20 =	sadd.s32 @!p0 $0x1, s20;
	s30 =	sadd.s32 $0x1, s22;
	s23 =	sadd.s32 @!p0 $0xA000, s23  }
0x23: {  	[tilespmem:s23], [sflag:s20] =	stream.indirect.gather @!p0 [hbm4b:s8+s24], $0x20, s21, s24, $0xb8;
	[tilespmem:$0x1D000] =	vst v63  }
0x24: {  	s31 =	sshll.u32 s22, $0xC;
	_ =	swait.ge [sflag:s30], $0x1000  }
0x25: {  	s22 =	simm.s32 $0x5;
	s21 =	sadd.s32 $0xA000, s31;
	[sflag:s30] =	ssyncset.done $0x0  }
0x26: {  	p0 =	por $0x0, $0x0;
	s20 =	simm.s32 $0x200;
	[sflag:s30] =	ssyncadd.s32 $0xFFFFF000  }
0x27: {  	[spmem:s2] =	stream.indirect.scatter.add.bf16 [tilespmem:s21], [sflag:$0x5], $0x20, s19, s13, $0xb8;
	[tilespmem:$0x1D000] =	vst v63  }
0x28: {  	s21 =	simm.s32 $0x4;
	s19 =	simm.s32 $0x5080;
	_ =	swait.ge [sflag:s12], $0x1000  }
.LBB2_2:
0x29: {  	s23 =	sand.u32 @!p0 $0x3, s21;
	s24 =	sadd.s32 $0xFFFFFFFD, s21;
	[sflag:s12] =	ssyncset.done $0x0  }
0x2a: {  	s21 =	smov.u32 s22;
	s25 =	smov.u32 s19;
	s28 =	simm.s32 @!p0 $0x80  }
0x2b: {  	s26 =	sshll.u32 @!p0 s23, $0xC;
	s23 =	sadd.s32 @!p0 $0x1, s23;
	[sflag:s12] =	ssyncadd.s32 $0xFFFFF000  }
0x2c: {  	s22 =	sadd.s32 $0x1, s22;
	s24 =	sand.u32 $0x3, s24;
	s26 =	sadd.s32 @!p0 $0xA000, s26  }
0x2d: {  	[tilespmem:s26], [sflag:s23] =	stream.indirect.gather @!p0 [hbm4b:s8+s28], $0x20, s20, s28, $0xb8;
	[tilespmem:$0x1D000] =	vst v63  }
0x2e: {  	p1 =	sne.s32 s22, $0xA3;
	s23 =	sshll.u32 s24, $0xC;
	s24 =	sadd.s32 $0x1, s24  }
.Ltmp0:
0x2f: {  	_ =	swait.ge [sflag:s24], $0x1000;
	(pc) =	sbr.rel @p1 .LBB2_2-.Ltmp0, $4  }
0x30: {  	s23 =	sadd.s32 $0xA000, s23;
	[sflag:s24] =	ssyncset.done $0x0  }
0x31: {  	s19 =	sadd.s32 $0x80, s19;
	[sflag:s24] =	ssyncadd.s32 $0xFFFFF000  }
0x32: {  	[spmem:s2] =	stream.indirect.scatter.add.bf16 [tilespmem:s23], [sflag:$0x5], $0x20, s25, s13, $0xb8;
	[tilespmem:$0x1D000] =	vst v63  }
0x33: {  	p0 =	sgt.u32 s21, $0x9F;
	s20 =	sadd.s32 $0x80, s20;
	_ =	swait.ge [sflag:s12], $0x1000  }
0x34: {  	s22 =	sand.u32 @!p0 $0x3, s21  }
0x35: {  	s30 =	sadd.s32 $0xFFFFFFFD, s21;
	[sflag:s12] =	ssyncset.done $0x0;
	s24 =	simm.s32 @!p0 $0x80  }
0x36: {  	s23 =	sshll.u32 @!p0 s22, $0xC;
	s22 =	sadd.s32 @!p0 $0x1, s22;
	s21 =	sand.u32 $0x3, s30  }
0x37: {  	[sflag:s12] =	ssyncadd.s32 $0xFFFFF000;
	s23 =	sadd.s32 @!p0 $0xA000, s23;
	s31 =	sadd.s32 $0x1, s21  }
0x38: {  	[tilespmem:s23], [sflag:s22] =	stream.indirect.gather @!p0 [hbm4b:s8+s24], $0x20, s20, s24, $0xb8;
	[tilespmem:$0x1D000] =	vst v63  }
0x39: {  	_ =	swait.ge [sflag:s31], $0x1000  }
0x3a: {  	s21 =	sshll.u32 s21, $0xC;
	[sflag:s31] =	ssyncset.done $0x0  }
0x3b: {  	s21 =	sadd.s32 $0xA000, s21;
	[sflag:s31] =	ssyncadd.s32 $0xFFFFF000  }
0x3c: {  	[spmem:s2] =	stream.indirect.scatter.add.bf16 [tilespmem:s21], [sflag:$0x5], $0x20, s19, s13, $0xb8;
	[tilespmem:$0x1D000] =	vst v63  }
0x3d: {  	_ =	swait.ge [sflag:s12], $0x1000  }
0x3e: {  	s18 =	sadd.s32 $0x1, s18;
	[sflag:s12] =	ssyncset.done $0x0  }
0x3f: {  	p0 =	sne.s32 s18, s10;
	[sflag:s12] =	ssyncadd.s32 $0xFFFFF000  }
.Ltmp1:
0x40: {  	[bflag:$0x0] =	sbarrier.arrive $0xFFFF;
	(pc) =	sbr.rel @p0 .LBB2_1-.Ltmp1, $4  }
0x41: {  	[hbm:s9], [sflag:s5] =	dma.local [spmem:s11], $0x1E00  }
0x42: {  	_ =	swait.ge [sflag:s12], $0x1E00  }
0x43: {  	[sflag:s12] =	ssyncset.done $0x0  }
0x44: {  	[sflag:s12] =	ssyncadd.s32 $0xFFFFE200  }
0x45: {  	_ =	sfence.sel $0x180000  }
0x46: {  	[bflag:$0x0] =	sbarrier.arrive $0xFFFF  }
0x47: {  	p0 =	sne.s32 s1, $0x0;
	_ =	strace $0x90000047  }
0x48: {  	s0 =	sadd.s32 @!p0 $0x100000, s0;
	[bflag:$0x2] =	sbarrier.arrive $0xFFFF  }
0x49: {  	[sflag:s0] =	ssyncadd.tile.s32 @!p0 $0x1;
	_ =	shalt  }
.Lfunc_end2:
_tile_overlayer_lowered:
.L_overlay_start_2:
0x4a: {  	(tag) =	ssettag $0x2  }
0x4b: {  	s0 =	rddreg [dreg:$0x0];
	s2 =	stileid.u32  }
0x4c: {  	s1 =	rddreg [dreg:$0x1];
	p0 =	sne.s32 s2, $0x0  }
0x4d: {  	s3 =	rddreg [dreg:$0x2];
	[bflag:$0x3] =	sbarrier.arrive $0xFFFF;
	s2 =	simm.s32 @!p0 $0x1C05  }
0x4e: {  	[timem:s3], [sflag:s2] =	dma.local @!p0 [hbm:s0], s1  }
0x4f: {  	s0 =	simm.s32 @!p0 $0x5  }
0x50: {  	_ =	swait.ge @!p0 [sflag:s0], s1  }
0x51: {  	s1 =	ssub.s32 @!p0 $0x0, s1;
	[sflag:s0] =	ssyncset.done @!p0 $0x0  }
0x52: {  	[sflag:s0] =	ssyncadd.s32 @!p0 s1  }
0x53: {  	[bflag:$0x3] =	sbarrier.arrive $0xFFFF  }
0x54: {  	_ =	shalt  }

</sc_bundles>
